<compile_context>
chip_gen: v7x
topology: tpu7x:2x2x1
jax: 0.10.2.dev20260603
libtpu: 0.0.44.dev20260713+nightly
codegen_flags: <defaults>
</compile_context>

<pallas_src>
import functools

import jax
import jax.numpy as jnp
from jax import lax
from jax.experimental import pallas as pl
from jax.experimental.pallas import tpu as pltpu
from jax.experimental.pallas import tpu_sc as plsc

L = 16
N_VALID = 68
N_PAD = 80
N_CHUNKS = N_PAD // L
N_ROWS = 100000

_mesh = plsc.VectorSubcoreMesh(
    core_axis_name="c", subcore_axis_name="s", num_cores=1, num_subcores=1
)


@functools.partial(
    pl.kernel,
    mesh=_mesh,
    out_type=jax.ShapeDtypeStruct((1,), jnp.float32),
    scratch_types=[
        pltpu.VMEM((N_PAD,), jnp.int32),
        pltpu.VMEM((N_PAD,), jnp.int32),
        pltpu.VMEM((N_PAD,), jnp.float32),
        pltpu.VMEM((N_PAD,), jnp.float32),
        pltpu.VMEM((L,), jnp.float32),
        pltpu.SemaphoreType.DMA,
    ],
)
def _sc_sumsq(points_hbm, lm_hbm, out_hbm, lm_v, iy_v, vx_v, vy_v,
              out_v, sem):
    wid = lax.axis_index("s") * 2 + lax.axis_index("c")

    @pl.when(wid == 0)
    def _():
        pltpu.sync_copy(lm_hbm, lm_v.at[pl.ds(0, N_VALID)])
        cx = pltpu.async_copy(
            points_hbm.at[lm_v.at[pl.ds(0, N_VALID)]],
            vx_v.at[pl.ds(0, N_VALID)], sem,
        )
        lane = lax.broadcasted_iota(jnp.int32, (L,), 0)
        for j in range(N_CHUNKS):
            sl = pl.ds(j * L, L)
            iy_v[sl] = lm_v[sl] + N_ROWS
        cy = pltpu.async_copy(
            points_hbm.at[iy_v.at[pl.ds(0, N_VALID)]],
            vy_v.at[pl.ds(0, N_VALID)], sem,
        )
        cx.wait()
        cy.wait()

        acc = jnp.zeros((L,), jnp.float32)
        for j in range(N_CHUNKS):
            sl = pl.ds(j * L, L)
            x = vx_v[sl]
            y = vy_v[sl]
            s = x * x + y * y
            if (j + 1) * L > N_VALID:
                s = jnp.where(j * L + lane < N_VALID, s, 0.0)
            acc = acc + s
        dnums = lax.GatherDimensionNumbers(
            offset_dims=(), collapsed_slice_dims=(0,), start_index_map=(0,)
        )
        for sh in (8, 4, 2, 1):
            peer = lax.gather(
                acc, (lane ^ sh)[:, None], dnums, slice_sizes=(1,),
                mode=lax.GatherScatterMode.PROMISE_IN_BOUNDS,
            )
            acc = acc + peer
        t = acc
        y = 0.5 * (t + 1.0)
        for _ in range(16):
            y = 0.5 * (y + t / y)
        r = jnp.where(t > 0.0, y, 0.0)
        out_v[...] = r
        pltpu.sync_copy(out_v.at[pl.ds(0, 1)], out_hbm)


def kernel(pointsUV, landmarks):
    pts_lin = jnp.ravel(pointsUV.T)
    out = _sc_sumsq(pts_lin, landmarks.astype(jnp.int32))
    return out.reshape(())

# --- scband reference (transcript-rebuilt; emitter-appended) ---
"""Pipeline reference for scband-landmark-pipe-30683246363178 (READ-ONLY COPY).

The authoritative reference and input builder live on the scoring server;
editing this copy changes nothing except your own understanding.
"""

import jax, jax.numpy as jnp
import numpy as np


def setup_inputs(seed: int = 0) -> dict:
    key = jax.random.key(seed)
    k1, _ = jax.random.split(key)
    pointsUV = jax.random.normal(k1, (100000, 2), dtype=jnp.float32)
    # buffer from __init__: LongTensor(landmarks) -- constant integer indices
    landmarks = jnp.arange(68, dtype=jnp.int64) * 1470
    return {"pointsUV": pointsUV, "landmarks": landmarks}


def reference(pointsUV, landmarks):
    # index_select(pointsUV, dim=0, index=self.landmarks)
    sel = jnp.take(pointsUV, landmarks, axis=0)
    # torch.norm(matrix) -> Frobenius norm (scalar)
    return jnp.linalg.norm(sel)

if __name__ == "__main__":
    import jax
    _d = setup_inputs()
    print(jax.jit(kernel)(*tuple(_d.values())))

</pallas_src>

<mosaic_0001>
#map = affine_map<(d0, d1) -> (0)>
module attributes {stable_mosaic.version = 14 : i64} {
  func.func @_sc_sumsq(%arg0: i32, %arg1: i32, %arg2: memref<200000xf32, #tpu.memory_space<hbm>>, %arg3: memref<68xi32, #tpu.memory_space<hbm>>, %arg4: memref<1xf32, #tpu.memory_space<hbm>>, %arg5: memref<80xi32, #tpu.memory_space<vmem>>, %arg6: memref<80xi32, #tpu.memory_space<vmem>>, %arg7: memref<80xf32, #tpu.memory_space<vmem>>, %arg8: memref<80xf32, #tpu.memory_space<vmem>>, %arg9: memref<16xf32, #tpu.memory_space<vmem>>, %arg10: memref<!tpu.dma_semaphore, #tpu.memory_space<semaphore_mem>>) attributes {dimension_semantics = [#tpu.dimension_semantics<core_parallel>, #tpu.dimension_semantics<subcore_parallel>], iteration_bounds = array<i64: 1, 1>, scalar_prefetch = 0 : i64, scratch_operands = 6 : i64, tpu.core_type = #tpu.core_type<sc_vector_subcore>, window_params = [{transform_indices = #map}, {transform_indices = #map}, {transform_indices = #map}]} {
    %mul3A = arith.constant 2 : i32
    %mul3A_0 = arith.muli %arg1, %mul3A : i32
    %add3A = arith.addi %mul3A_0, %arg0 : i32
    %eq3A = arith.constant 0 : i32
    %eq3A_1 = arith.cmpi eq, %add3A, %eq3A : i32
    %convert_element_type3A = arith.extui %eq3A_1 : i1 to i32
    %cond3A = arith.constant 0 : i32
    %cond3A_2 = arith.cmpi ne, %convert_element_type3A, %cond3A : i32
    scf.if %cond3A_2 {
      "tpu.region"() ({
        %run_scoped3A = tpu.sem_alloc : memref<!tpu.dma_semaphore, #tpu.memory_space<semaphore_mem>>
        %dma_start3A_250 = arith.constant 0 : i32
        %dma_start3A_251 = tpu.memref_slice %arg5[%dma_start3A_250] : memref<80xi32, #tpu.memory_space<vmem>> -> memref<68xi32, #tpu.memory_space<vmem>>
        %dma_start3A_252 = arith.constant 0 : i32
        %dma_start3A_253 = tpu.memref_slice %arg5[%dma_start3A_252] : memref<80xi32, #tpu.memory_space<vmem>> -> memref<68xi32, #tpu.memory_space<vmem>>
        tpu.enqueue_dma source(%arg3 : memref<68xi32, #tpu.memory_space<hbm>>) target(%dma_start3A_253 : memref<68xi32, #tpu.memory_space<vmem>>) target_semaphore(%run_scoped3A : memref<!tpu.dma_semaphore, #tpu.memory_space<semaphore_mem>>)
        %dma_wait3A_254 = arith.constant 0 : i32
        %dma_wait3A_255 = tpu.memref_slice %arg5[%dma_wait3A_254] : memref<80xi32, #tpu.memory_space<vmem>> -> memref<68xi32, #tpu.memory_space<vmem>>
        %dma_wait3A_256 = arith.constant 0 : i32
        %dma_wait3A_257 = tpu.memref_slice %arg5[%dma_wait3A_256] : memref<80xi32, #tpu.memory_space<vmem>> -> memref<68xi32, #tpu.memory_space<vmem>>
        tpu.wait_dma2 semaphore(%run_scoped3A : memref<!tpu.dma_semaphore, #tpu.memory_space<semaphore_mem>>) src(%arg3 : memref<68xi32, #tpu.memory_space<hbm>>) dst(%dma_wait3A_257 : memref<68xi32, #tpu.memory_space<vmem>>)
        tpu.yield
      }) : () -> ()
      %dma_start3A = arith.constant 0 : i32
      %dma_start3A_3 = tpu.memref_slice %arg7[%dma_start3A] : memref<80xf32, #tpu.memory_space<vmem>> -> memref<68xf32, #tpu.memory_space<vmem>>
      %dma_start3A_4 = arith.constant 0 : i32
      %dma_start3A_5 = tpu.memref_slice %arg5[%dma_start3A_4] : memref<80xi32, #tpu.memory_space<vmem>> -> memref<68xi32, #tpu.memory_space<vmem>>
      %dma_start3A_6 = arith.constant 0 : i32
      %dma_start3A_7 = tpu.memref_slice %arg2[%dma_start3A_6] : memref<200000xf32, #tpu.memory_space<hbm>> -> memref<200000xf32, #tpu.memory_space<hbm>>
      tpu.enqueue_indirect_dma source(%dma_start3A_7 : memref<200000xf32, #tpu.memory_space<hbm>>) target(%dma_start3A_3 : memref<68xf32, #tpu.memory_space<vmem>>) offsets(%dma_start3A_5 : memref<68xi32, #tpu.memory_space<vmem>>) semaphore(%arg10 : memref<!tpu.dma_semaphore, #tpu.memory_space<semaphore_mem>>)
      %iota3A = tpu.iota {dimensions = array<i32: 0>} : vector<16xi32>
      %get3A = arith.constant 0 : index
      %get3A_8 = tpu.vector_load %arg5[%get3A] {strides = array<i32>} : memref<80xi32, #tpu.memory_space<vmem>>, vector<16xi32>,
      %get3A_9 = vector.shape_cast %get3A_8 : vector<16xi32> to vector<16xi32>
      %add3A_10 = arith.constant 100000 : i32
      %add3A_11 = vector.broadcast %add3A_10 : i32 to vector<16xi32>
      %add3A_12 = arith.addi %get3A_9, %add3A_11 : vector<16xi32>
      %swap3A = arith.constant 0 : index
      %swap3A_13 = tpu.vector_load %arg6[%swap3A] {strides = array<i32>} : memref<80xi32, #tpu.memory_space<vmem>>, vector<16xi32>,
      %swap3A_14 = vector.shape_cast %swap3A_13 : vector<16xi32> to vector<16xi32>
      %swap3A_15 = vector.shape_cast %add3A_12 : vector<16xi32> to vector<16xi32>
      tpu.vector_store %arg6[%swap3A], %swap3A_15 {strides = array<i32>} : memref<80xi32, #tpu.memory_space<vmem>>, vector<16xi32>,
      %get3A_16 = arith.constant 16 : index
      %get3A_17 = tpu.vector_load %arg5[%get3A_16] {strides = array<i32>} : memref<80xi32, #tpu.memory_space<vmem>>, vector<16xi32>,
      %get3A_18 = vector.shape_cast %get3A_17 : vector<16xi32> to vector<16xi32>
      %add3A_19 = arith.constant 100000 : i32
      %add3A_20 = vector.broadcast %add3A_19 : i32 to vector<16xi32>
      %add3A_21 = arith.addi %get3A_18, %add3A_20 : vector<16xi32>
      %swap3A_22 = arith.constant 16 : index
      %swap3A_23 = tpu.vector_load %arg6[%swap3A_22] {strides = array<i32>} : memref<80xi32, #tpu.memory_space<vmem>>, vector<16xi32>,
      %swap3A_24 = vector.shape_cast %swap3A_23 : vector<16xi32> to vector<16xi32>
      %swap3A_25 = vector.shape_cast %add3A_21 : vector<16xi32> to vector<16xi32>
      tpu.vector_store %arg6[%swap3A_22], %swap3A_25 {strides = array<i32>} : memref<80xi32, #tpu.memory_space<vmem>>, vector<16xi32>,
      %get3A_26 = arith.constant 32 : index
      %get3A_27 = tpu.vector_load %arg5[%get3A_26] {strides = array<i32>} : memref<80xi32, #tpu.memory_space<vmem>>, vector<16xi32>,
      %get3A_28 = vector.shape_cast %get3A_27 : vector<16xi32> to vector<16xi32>
      %add3A_29 = arith.constant 100000 : i32
      %add3A_30 = vector.broadcast %add3A_29 : i32 to vector<16xi32>
      %add3A_31 = arith.addi %get3A_28, %add3A_30 : vector<16xi32>
      %swap3A_32 = arith.constant 32 : index
      %swap3A_33 = tpu.vector_load %arg6[%swap3A_32] {strides = array<i32>} : memref<80xi32, #tpu.memory_space<vmem>>, vector<16xi32>,
      %swap3A_34 = vector.shape_cast %swap3A_33 : vector<16xi32> to vector<16xi32>
      %swap3A_35 = vector.shape_cast %add3A_31 : vector<16xi32> to vector<16xi32>
      tpu.vector_store %arg6[%swap3A_32], %swap3A_35 {strides = array<i32>} : memref<80xi32, #tpu.memory_space<vmem>>, vector<16xi32>,
      %get3A_36 = arith.constant 48 : index
      %get3A_37 = tpu.vector_load %arg5[%get3A_36] {strides = array<i32>} : memref<80xi32, #tpu.memory_space<vmem>>, vector<16xi32>,
      %get3A_38 = vector.shape_cast %get3A_37 : vector<16xi32> to vector<16xi32>
      %add3A_39 = arith.constant 100000 : i32
      %add3A_40 = vector.broadcast %add3A_39 : i32 to vector<16xi32>
      %add3A_41 = arith.addi %get3A_38, %add3A_40 : vector<16xi32>
      %swap3A_42 = arith.constant 48 : index
      %swap3A_43 = tpu.vector_load %arg6[%swap3A_42] {strides = array<i32>} : memref<80xi32, #tpu.memory_space<vmem>>, vector<16xi32>,
      %swap3A_44 = vector.shape_cast %swap3A_43 : vector<16xi32> to vector<16xi32>
      %swap3A_45 = vector.shape_cast %add3A_41 : vector<16xi32> to vector<16xi32>
      tpu.vector_store %arg6[%swap3A_42], %swap3A_45 {strides = array<i32>} : memref<80xi32, #tpu.memory_space<vmem>>, vector<16xi32>,
      %get3A_46 = arith.constant 64 : index
      %get3A_47 = tpu.vector_load %arg5[%get3A_46] {strides = array<i32>} : memref<80xi32, #tpu.memory_space<vmem>>, vector<16xi32>,
      %get3A_48 = vector.shape_cast %get3A_47 : vector<16xi32> to vector<16xi32>
      %add3A_49 = arith.constant 100000 : i32
      %add3A_50 = vector.broadcast %add3A_49 : i32 to vector<16xi32>
      %add3A_51 = arith.addi %get3A_48, %add3A_50 : vector<16xi32>
      %swap3A_52 = arith.constant 64 : index
      %swap3A_53 = tpu.vector_load %arg6[%swap3A_52] {strides = array<i32>} : memref<80xi32, #tpu.memory_space<vmem>>, vector<16xi32>,
      %swap3A_54 = vector.shape_cast %swap3A_53 : vector<16xi32> to vector<16xi32>
      %swap3A_55 = vector.shape_cast %add3A_51 : vector<16xi32> to vector<16xi32>
      tpu.vector_store %arg6[%swap3A_52], %swap3A_55 {strides = array<i32>} : memref<80xi32, #tpu.memory_space<vmem>>, vector<16xi32>,
      %dma_start3A_56 = arith.constant 0 : i32
      %dma_start3A_57 = tpu.memref_slice %arg8[%dma_start3A_56] : memref<80xf32, #tpu.memory_space<vmem>> -> memref<68xf32, #tpu.memory_space<vmem>>
      %dma_start3A_58 = arith.constant 0 : i32
      %dma_start3A_59 = tpu.memref_slice %arg6[%dma_start3A_58] : memref<80xi32, #tpu.memory_space<vmem>> -> memref<68xi32, #tpu.memory_space<vmem>>
      %dma_start3A_60 = arith.constant 0 : i32
      %dma_start3A_61 = tpu.memref_slice %arg2[%dma_start3A_60] : memref<200000xf32, #tpu.memory_space<hbm>> -> memref<200000xf32, #tpu.memory_space<hbm>>
      tpu.enqueue_indirect_dma source(%dma_start3A_61 : memref<200000xf32, #tpu.memory_space<hbm>>) target(%dma_start3A_57 : memref<68xf32, #tpu.memory_space<vmem>>) offsets(%dma_start3A_59 : memref<68xi32, #tpu.memory_space<vmem>>) semaphore(%arg10 : memref<!tpu.dma_semaphore, #tpu.memory_space<semaphore_mem>>)
      %dma_wait3A = arith.constant 0 : i32
      %dma_wait3A_62 = tpu.memref_slice %arg7[%dma_wait3A] : memref<80xf32, #tpu.memory_space<vmem>> -> memref<68xf32, #tpu.memory_space<vmem>>
      %dma_wait3A_63 = arith.constant 0 : i32
      %dma_wait3A_64 = tpu.memref_slice %arg5[%dma_wait3A_63] : memref<80xi32, #tpu.memory_space<vmem>> -> memref<68xi32, #tpu.memory_space<vmem>>
      %dma_wait3A_65 = arith.constant 0 : i32
      %dma_wait3A_66 = tpu.memref_slice %arg2[%dma_wait3A_65] : memref<200000xf32, #tpu.memory_space<hbm>> -> memref<200000xf32, #tpu.memory_space<hbm>>
      tpu.wait_indirect_dma semaphore(%arg10 : memref<!tpu.dma_semaphore, #tpu.memory_space<semaphore_mem>>) src(%dma_wait3A_66 : memref<200000xf32, #tpu.memory_space<hbm>>) dst(%dma_wait3A_62 : memref<68xf32, #tpu.memory_space<vmem>>)
      %dma_wait3A_67 = arith.constant 0 : i32
      %dma_wait3A_68 = tpu.memref_slice %arg8[%dma_wait3A_67] : memref<80xf32, #tpu.memory_space<vmem>> -> memref<68xf32, #tpu.memory_space<vmem>>
      %dma_wait3A_69 = arith.constant 0 : i32
      %dma_wait3A_70 = tpu.memref_slice %arg6[%dma_wait3A_69] : memref<80xi32, #tpu.memory_space<vmem>> -> memref<68xi32, #tpu.memory_space<vmem>>
      %dma_wait3A_71 = arith.constant 0 : i32
      %dma_wait3A_72 = tpu.memref_slice %arg2[%dma_wait3A_71] : memref<200000xf32, #tpu.memory_space<hbm>> -> memref<200000xf32, #tpu.memory_space<hbm>>
      tpu.wait_indirect_dma semaphore(%arg10 : memref<!tpu.dma_semaphore, #tpu.memory_space<semaphore_mem>>) src(%dma_wait3A_72 : memref<200000xf32, #tpu.memory_space<hbm>>) dst(%dma_wait3A_68 : memref<68xf32, #tpu.memory_space<vmem>>)
      %broadcast_in_dim3A = arith.constant 0.000000e+00 : f32
      %broadcast_in_dim3A_73 = vector.broadcast %broadcast_in_dim3A : f32 to vector<16xf32>
      %get3A_74 = arith.constant 0 : index
      %get3A_75 = tpu.vector_load %arg7[%get3A_74] {strides = array<i32>} : memref<80xf32, #tpu.memory_space<vmem>>, vector<16xf32>,
      %get3A_76 = vector.shape_cast %get3A_75 : vector<16xf32> to vector<16xf32>
      %get3A_77 = arith.constant 0 : index
      %get3A_78 = tpu.vector_load %arg8[%get3A_77] {strides = array<i32>} : memref<80xf32, #tpu.memory_space<vmem>>, vector<16xf32>,
      %get3A_79 = vector.shape_cast %get3A_78 : vector<16xf32> to vector<16xf32>
      %mul3A_80 = arith.mulf %get3A_76, %get3A_76 : vector<16xf32>
      %mul3A_81 = arith.mulf %get3A_79, %get3A_79 : vector<16xf32>
      %add3A_82 = arith.addf %mul3A_80, %mul3A_81 : vector<16xf32>
      %add3A_83 = arith.addf %broadcast_in_dim3A_73, %add3A_82 : vector<16xf32>
      %get3A_84 = arith.constant 16 : index
      %get3A_85 = tpu.vector_load %arg7[%get3A_84] {strides = array<i32>} : memref<80xf32, #tpu.memory_space<vmem>>, vector<16xf32>,
      %get3A_86 = vector.shape_cast %get3A_85 : vector<16xf32> to vector<16xf32>
      %get3A_87 = arith.constant 16 : index
      %get3A_88 = tpu.vector_load %arg8[%get3A_87] {strides = array<i32>} : memref<80xf32, #tpu.memory_space<vmem>>, vector<16xf32>,
      %get3A_89 = vector.shape_cast %get3A_88 : vector<16xf32> to vector<16xf32>
      %mul3A_90 = arith.mulf %get3A_86, %get3A_86 : vector<16xf32>
      %mul3A_91 = arith.mulf %get3A_89, %get3A_89 : vector<16xf32>
      %add3A_92 = arith.addf %mul3A_90, %mul3A_91 : vector<16xf32>
      %add3A_93 = arith.addf %add3A_83, %add3A_92 : vector<16xf32>
      %get3A_94 = arith.constant 32 : index
      %get3A_95 = tpu.vector_load %arg7[%get3A_94] {strides = array<i32>} : memref<80xf32, #tpu.memory_space<vmem>>, vector<16xf32>,
      %get3A_96 = vector.shape_cast %get3A_95 : vector<16xf32> to vector<16xf32>
      %get3A_97 = arith.constant 32 : index
      %get3A_98 = tpu.vector_load %arg8[%get3A_97] {strides = array<i32>} : memref<80xf32, #tpu.memory_space<vmem>>, vector<16xf32>,
      %get3A_99 = vector.shape_cast %get3A_98 : vector<16xf32> to vector<16xf32>
      %mul3A_100 = arith.mulf %get3A_96, %get3A_96 : vector<16xf32>
      %mul3A_101 = arith.mulf %get3A_99, %get3A_99 : vector<16xf32>
      %add3A_102 = arith.addf %mul3A_100, %mul3A_101 : vector<16xf32>
      %add3A_103 = arith.addf %add3A_93, %add3A_102 : vector<16xf32>
      %get3A_104 = arith.constant 48 : index
      %get3A_105 = tpu.vector_load %arg7[%get3A_104] {strides = array<i32>} : memref<80xf32, #tpu.memory_space<vmem>>, vector<16xf32>,
      %get3A_106 = vector.shape_cast %get3A_105 : vector<16xf32> to vector<16xf32>
      %get3A_107 = arith.constant 48 : index
      %get3A_108 = tpu.vector_load %arg8[%get3A_107] {strides = array<i32>} : memref<80xf32, #tpu.memory_space<vmem>>, vector<16xf32>,
      %get3A_109 = vector.shape_cast %get3A_108 : vector<16xf32> to vector<16xf32>
      %mul3A_110 = arith.mulf %get3A_106, %get3A_106 : vector<16xf32>
      %mul3A_111 = arith.mulf %get3A_109, %get3A_109 : vector<16xf32>
      %add3A_112 = arith.addf %mul3A_110, %mul3A_111 : vector<16xf32>
      %add3A_113 = arith.addf %add3A_103, %add3A_112 : vector<16xf32>
      %get3A_114 = arith.constant 64 : index
      %get3A_115 = tpu.vector_load %arg7[%get3A_114] {strides = array<i32>} : memref<80xf32, #tpu.memory_space<vmem>>, vector<16xf32>,
      %get3A_116 = vector.shape_cast %get3A_115 : vector<16xf32> to vector<16xf32>
      %get3A_117 = arith.constant 64 : index
      %get3A_118 = tpu.vector_load %arg8[%get3A_117] {strides = array<i32>} : memref<80xf32, #tpu.memory_space<vmem>>, vector<16xf32>,
      %get3A_119 = vector.shape_cast %get3A_118 : vector<16xf32> to vector<16xf32>
      %mul3A_120 = arith.mulf %get3A_116, %get3A_116 : vector<16xf32>
      %mul3A_121 = arith.mulf %get3A_119, %get3A_119 : vector<16xf32>
      %add3A_122 = arith.addf %mul3A_120, %mul3A_121 : vector<16xf32>
      %add3A_123 = arith.constant 64 : i32
      %add3A_124 = vector.broadcast %add3A_123 : i32 to vector<16xi32>
      %add3A_125 = arith.addi %add3A_124, %iota3A : vector<16xi32>
      %lt3A = arith.constant 68 : i32
      %lt3A_126 = vector.broadcast %lt3A : i32 to vector<16xi32>
      %lt3A_127 = arith.cmpi slt, %add3A_125, %lt3A_126 : vector<16xi32>
      %jit3A = arith.constant 0.000000e+00 : f32
      %broadcast_in_dim3A_128 = vector.broadcast %jit3A : f32 to vector<16xf32>
      %select_n3A = arith.select %lt3A_127, %add3A_122, %broadcast_in_dim3A_128 : vector<16xi1>, vector<16xf32>
      %add3A_129 = arith.addf %add3A_113, %select_n3A : vector<16xf32>
      %xor3A = arith.constant 8 : i32
      %xor3A_130 = vector.broadcast %xor3A : i32 to vector<16xi32>
      %xor3A_131 = arith.xori %iota3A, %xor3A_130 : vector<16xi32>
      %broadcast_in_dim3A_132 = vector.shape_cast %xor3A_131 : vector<16xi32> to vector<16x1xi32>
      %gather3A = vector.shape_cast %broadcast_in_dim3A_132 : vector<16x1xi32> to vector<16xi32>
      %gather3A_133 = tpu.dynamic_gather %add3A_129[%gather3A] in [0] : vector<16xf32>, vector<16xi32> -> vector<16xf32>
      %add3A_134 = arith.addf %add3A_129, %gather3A_133 : vector<16xf32>
      %xor3A_135 = arith.constant 4 : i32
      %xor3A_136 = vector.broadcast %xor3A_135 : i32 to vector<16xi32>
      %xor3A_137 = arith.xori %iota3A, %xor3A_136 : vector<16xi32>
      %broadcast_in_dim3A_138 = vector.shape_cast %xor3A_137 : vector<16xi32> to vector<16x1xi32>
      %gather3A_139 = vector.shape_cast %broadcast_in_dim3A_138 : vector<16x1xi32> to vector<16xi32>
      %gather3A_140 = tpu.dynamic_gather %add3A_134[%gather3A_139] in [0] : vector<16xf32>, vector<16xi32> -> vector<16xf32>
      %add3A_141 = arith.addf %add3A_134, %gather3A_140 : vector<16xf32>
      %xor3A_142 = arith.constant 2 : i32
      %xor3A_143 = vector.broadcast %xor3A_142 : i32 to vector<16xi32>
      %xor3A_144 = arith.xori %iota3A, %xor3A_143 : vector<16xi32>
      %broadcast_in_dim3A_145 = vector.shape_cast %xor3A_144 : vector<16xi32> to vector<16x1xi32>
      %gather3A_146 = vector.shape_cast %broadcast_in_dim3A_145 : vector<16x1xi32> to vector<16xi32>
      %gather3A_147 = tpu.dynamic_gather %add3A_141[%gather3A_146] in [0] : vector<16xf32>, vector<16xi32> -> vector<16xf32>
      %add3A_148 = arith.addf %add3A_141, %gather3A_147 : vector<16xf32>
      %xor3A_149 = arith.constant 1 : i32
      %xor3A_150 = vector.broadcast %xor3A_149 : i32 to vector<16xi32>
      %xor3A_151 = arith.xori %iota3A, %xor3A_150 : vector<16xi32>
      %broadcast_in_dim3A_152 = vector.shape_cast %xor3A_151 : vector<16xi32> to vector<16x1xi32>
      %gather3A_153 = vector.shape_cast %broadcast_in_dim3A_152 : vector<16x1xi32> to vector<16xi32>
      %gather3A_154 = tpu.dynamic_gather %add3A_148[%gather3A_153] in [0] : vector<16xf32>, vector<16xi32> -> vector<16xf32>
      %add3A_155 = arith.addf %add3A_148, %gather3A_154 : vector<16xf32>
      %add3A_156 = arith.constant 1.000000e+00 : f32
      %add3A_157 = vector.broadcast %add3A_156 : f32 to vector<16xf32>
      %add3A_158 = arith.addf %add3A_155, %add3A_157 : vector<16xf32>
      %mul3A_159 = arith.constant 5.000000e-01 : f32
      %mul3A_160 = vector.broadcast %mul3A_159 : f32 to vector<16xf32>
      %mul3A_161 = arith.mulf %mul3A_160, %add3A_158 : vector<16xf32>
      %div3A = arith.divf %add3A_155, %mul3A_161 : vector<16xf32>
      %add3A_162 = arith.addf %mul3A_161, %div3A : vector<16xf32>
      %mul3A_163 = arith.constant 5.000000e-01 : f32
      %mul3A_164 = vector.broadcast %mul3A_163 : f32 to vector<16xf32>
      %mul3A_165 = arith.mulf %mul3A_164, %add3A_162 : vector<16xf32>
      %div3A_166 = arith.divf %add3A_155, %mul3A_165 : vector<16xf32>
      %add3A_167 = arith.addf %mul3A_165, %div3A_166 : vector<16xf32>
      %mul3A_168 = arith.constant 5.000000e-01 : f32
      %mul3A_169 = vector.broadcast %mul3A_168 : f32 to vector<16xf32>
      %mul3A_170 = arith.mulf %mul3A_169, %add3A_167 : vector<16xf32>
      %div3A_171 = arith.divf %add3A_155, %mul3A_170 : vector<16xf32>
      %add3A_172 = arith.addf %mul3A_170, %div3A_171 : vector<16xf32>
      %mul3A_173 = arith.constant 5.000000e-01 : f32
      %mul3A_174 = vector.broadcast %mul3A_173 : f32 to vector<16xf32>
      %mul3A_175 = arith.mulf %mul3A_174, %add3A_172 : vector<16xf32>
      %div3A_176 = arith.divf %add3A_155, %mul3A_175 : vector<16xf32>
      %add3A_177 = arith.addf %mul3A_175, %div3A_176 : vector<16xf32>
      %mul3A_178 = arith.constant 5.000000e-01 : f32
      %mul3A_179 = vector.broadcast %mul3A_178 : f32 to vector<16xf32>
      %mul3A_180 = arith.mulf %mul3A_179, %add3A_177 : vector<16xf32>
      %div3A_181 = arith.divf %add3A_155, %mul3A_180 : vector<16xf32>
      %add3A_182 = arith.addf %mul3A_180, %div3A_181 : vector<16xf32>
      %mul3A_183 = arith.constant 5.000000e-01 : f32
      %mul3A_184 = vector.broadcast %mul3A_183 : f32 to vector<16xf32>
      %mul3A_185 = arith.mulf %mul3A_184, %add3A_182 : vector<16xf32>
      %div3A_186 = arith.divf %add3A_155, %mul3A_185 : vector<16xf32>
      %add3A_187 = arith.addf %mul3A_185, %div3A_186 : vector<16xf32>
      %mul3A_188 = arith.constant 5.000000e-01 : f32
      %mul3A_189 = vector.broadcast %mul3A_188 : f32 to vector<16xf32>
      %mul3A_190 = arith.mulf %mul3A_189, %add3A_187 : vector<16xf32>
      %div3A_191 = arith.divf %add3A_155, %mul3A_190 : vector<16xf32>
      %add3A_192 = arith.addf %mul3A_190, %div3A_191 : vector<16xf32>
      %mul3A_193 = arith.constant 5.000000e-01 : f32
      %mul3A_194 = vector.broadcast %mul3A_193 : f32 to vector<16xf32>
      %mul3A_195 = arith.mulf %mul3A_194, %add3A_192 : vector<16xf32>
      %div3A_196 = arith.divf %add3A_155, %mul3A_195 : vector<16xf32>
      %add3A_197 = arith.addf %mul3A_195, %div3A_196 : vector<16xf32>
      %mul3A_198 = arith.constant 5.000000e-01 : f32
      %mul3A_199 = vector.broadcast %mul3A_198 : f32 to vector<16xf32>
      %mul3A_200 = arith.mulf %mul3A_199, %add3A_197 : vector<16xf32>
      %div3A_201 = arith.divf %add3A_155, %mul3A_200 : vector<16xf32>
      %add3A_202 = arith.addf %mul3A_200, %div3A_201 : vector<16xf32>
      %mul3A_203 = arith.constant 5.000000e-01 : f32
      %mul3A_204 = vector.broadcast %mul3A_203 : f32 to vector<16xf32>
      %mul3A_205 = arith.mulf %mul3A_204, %add3A_202 : vector<16xf32>
      %div3A_206 = arith.divf %add3A_155, %mul3A_205 : vector<16xf32>
      %add3A_207 = arith.addf %mul3A_205, %div3A_206 : vector<16xf32>
      %mul3A_208 = arith.constant 5.000000e-01 : f32
      %mul3A_209 = vector.broadcast %mul3A_208 : f32 to vector<16xf32>
      %mul3A_210 = arith.mulf %mul3A_209, %add3A_207 : vector<16xf32>
      %div3A_211 = arith.divf %add3A_155, %mul3A_210 : vector<16xf32>
      %add3A_212 = arith.addf %mul3A_210, %div3A_211 : vector<16xf32>
      %mul3A_213 = arith.constant 5.000000e-01 : f32
      %mul3A_214 = vector.broadcast %mul3A_213 : f32 to vector<16xf32>
      %mul3A_215 = arith.mulf %mul3A_214, %add3A_212 : vector<16xf32>
      %div3A_216 = arith.divf %add3A_155, %mul3A_215 : vector<16xf32>
      %add3A_217 = arith.addf %mul3A_215, %div3A_216 : vector<16xf32>
      %mul3A_218 = arith.constant 5.000000e-01 : f32
      %mul3A_219 = vector.broadcast %mul3A_218 : f32 to vector<16xf32>
      %mul3A_220 = arith.mulf %mul3A_219, %add3A_217 : vector<16xf32>
      %div3A_221 = arith.divf %add3A_155, %mul3A_220 : vector<16xf32>
      %add3A_222 = arith.addf %mul3A_220, %div3A_221 : vector<16xf32>
      %mul3A_223 = arith.constant 5.000000e-01 : f32
      %mul3A_224 = vector.broadcast %mul3A_223 : f32 to vector<16xf32>
      %mul3A_225 = arith.mulf %mul3A_224, %add3A_222 : vector<16xf32>
      %div3A_226 = arith.divf %add3A_155, %mul3A_225 : vector<16xf32>
      %add3A_227 = arith.addf %mul3A_225, %div3A_226 : vector<16xf32>
      %mul3A_228 = arith.constant 5.000000e-01 : f32
      %mul3A_229 = vector.broadcast %mul3A_228 : f32 to vector<16xf32>
      %mul3A_230 = arith.mulf %mul3A_229, %add3A_227 : vector<16xf32>
      %div3A_231 = arith.divf %add3A_155, %mul3A_230 : vector<16xf32>
      %add3A_232 = arith.addf %mul3A_230, %div3A_231 : vector<16xf32>
      %mul3A_233 = arith.constant 5.000000e-01 : f32
      %mul3A_234 = vector.broadcast %mul3A_233 : f32 to vector<16xf32>
      %mul3A_235 = arith.mulf %mul3A_234, %add3A_232 : vector<16xf32>
      %div3A_236 = arith.divf %add3A_155, %mul3A_235 : vector<16xf32>
      %add3A_237 = arith.addf %mul3A_235, %div3A_236 : vector<16xf32>
      %mul3A_238 = arith.constant 5.000000e-01 : f32
      %mul3A_239 = vector.broadcast %mul3A_238 : f32 to vector<16xf32>
      %mul3A_240 = arith.mulf %mul3A_239, %add3A_237 : vector<16xf32>
      %gt3A = arith.constant 0.000000e+00 : f32
      %gt3A_241 = vector.broadcast %gt3A : f32 to vector<16xf32>
      %gt3A_242 = arith.cmpf ogt, %add3A_155, %gt3A_241 : vector<16xf32>
      %jit3A_243 = arith.constant 0.000000e+00 : f32
      %broadcast_in_dim3A_244 = vector.broadcast %jit3A_243 : f32 to vector<16xf32>
      %select_n3A_245 = arith.select %gt3A_242, %mul3A_240, %broadcast_in_dim3A_244 : vector<16xi1>, vector<16xf32>
      %swap3A_246 = arith.constant 0 : index
      %swap3A_247 = tpu.vector_load %arg9[%swap3A_246] {strides = array<i32>} : memref<16xf32, #tpu.memory_space<vmem>>, vector<16xf32>,
      %swap3A_248 = vector.shape_cast %swap3A_247 : vector<16xf32> to vector<16xf32>
      %swap3A_249 = vector.shape_cast %select_n3A_245 : vector<16xf32> to vector<16xf32>
      tpu.vector_store %arg9[%swap3A_246], %swap3A_249 {strides = array<i32>} : memref<16xf32, #tpu.memory_space<vmem>>, vector<16xf32>,
      "tpu.region"() ({
        %run_scoped3A = tpu.sem_alloc : memref<!tpu.dma_semaphore, #tpu.memory_space<semaphore_mem>>
        %dma_start3A_250 = arith.constant 0 : i32
        %dma_start3A_251 = tpu.memref_slice %arg9[%dma_start3A_250] : memref<16xf32, #tpu.memory_space<vmem>> -> memref<1xf32, #tpu.memory_space<vmem>>
        %dma_start3A_252 = arith.constant 0 : i32
        %dma_start3A_253 = tpu.memref_slice %arg9[%dma_start3A_252] : memref<16xf32, #tpu.memory_space<vmem>> -> memref<1xf32, #tpu.memory_space<vmem>>
        tpu.enqueue_dma source(%dma_start3A_253 : memref<1xf32, #tpu.memory_space<vmem>>) target(%arg4 : memref<1xf32, #tpu.memory_space<hbm>>) target_semaphore(%run_scoped3A : memref<!tpu.dma_semaphore, #tpu.memory_space<semaphore_mem>>)
        %dma_wait3A_254 = arith.constant 0 : i32
        %dma_wait3A_255 = tpu.memref_slice %arg9[%dma_wait3A_254] : memref<16xf32, #tpu.memory_space<vmem>> -> memref<1xf32, #tpu.memory_space<vmem>>
        %dma_wait3A_256 = arith.constant 0 : i32
        %dma_wait3A_257 = tpu.memref_slice %arg9[%dma_wait3A_256] : memref<16xf32, #tpu.memory_space<vmem>> -> memref<1xf32, #tpu.memory_space<vmem>>
        tpu.wait_dma2 semaphore(%run_scoped3A : memref<!tpu.dma_semaphore, #tpu.memory_space<semaphore_mem>>) src(%dma_wait3A_257 : memref<1xf32, #tpu.memory_space<vmem>>) dst(%arg4 : memref<1xf32, #tpu.memory_space<hbm>>)
        tpu.yield
      }) : () -> ()
    } else {
    }
    return
  }
}

</mosaic_0001>

<sc_bundles>
// kernel: kernel.3.cloned.1.call-start
scs
__scs_entry_jumppad:
0x0: {  	(pc) =	sbr.rel $0x88, $3  }
0x1: {  	(tag) =	ssettag $0x0;
	lr =	simm.s32 $0x1  }
0x2: {  	[smem:$0x3F9F] =	sst lr;
	_ =	strace $0xD0000000  }
0x3: {  	_ = 	snop  }
0x4: {  	_ = 	snop  }
0x5: {  	_ = 	snop  }
0x6: {  	_ = 	snop  }
0x7: {  	_ = 	snop  }
__scs_overlays_trampoline_lowered:
0x8: {  	[smem:$0x3FAE] =	sst s0  }
0x9: {  	[smem:$0x3FAF] =	sst s1  }
0xa: {  	[smem:$0x3FB0] =	sst s2  }
0xb: {  	[smem:$0x3FB1] =	sst s3  }
0xc: {  	[smem:$0x3FB2] =	sst s4  }
0xd: {  	[smem:$0x3FB3] =	sst s5  }
0xe: {  	[smem:$0x3FB4] =	sst s6  }
0xf: {  	[smem:$0x3FB5] =	sst s7  }
0x10: {  	[smem:$0x3FB6] =	sst s8  }
0x11: {  	[smem:$0x3FB7] =	sst s9;
	s0 =	simm.s32 @!p0 $0x0  }
0x12: {  	s1 =	sld [smem:$0x3F9D];
	s0 =	simm.s32 @p0 $0x1  }
0x13: {  	[smem:$0x3FB8] =	sst s0;
	s0 =	simm.s32 @!p1 $0x0  }
0x14: {  	s2 =	sld [smem:$0x3F9C];
	s0 =	simm.s32 @p1 $0x1  }
0x15: {  	[smem:$0x3FB9] =	sst s0;
	s0 =	simm.s32 @!p2 $0x0  }
0x16: {  	s3 =	sld [smem:$0x3FDB];
	s0 =	simm.s32 @p2 $0x1  }
0x17: {  	s4 =	simm.s32 $0x1BF5;
	[smem:$0x3FBB] =	sst s0  }
0x18: {  	s0 =	sld [smem:$0x3F9E];
	_ =	swait.ge [sflag:s4], $0x0  }
0x19: {  	s7 =	sld [smem:$0x3F9F]  }
0x1a: {  	s8 =	sadd.s32 $0xFFFFE003, lr  }
0x1b: {  	s9 =	sadd.s32 $0xFFFFFEF7, lr;
	s5 =	simm.s32 $0xFFFFFFFF;
	p2 =	slt.u32 s8, $0xFFFFF086  }
0x1c: {  	p1 =	slt.u32 s9, $0xF7A;
	s5 =	simm.s32 @!p2 $0x0  }
0x1d: {  	s5 =	simm.s32 @p1 $0x1;
	p0 =	seq.s32 s7, s2  }
0x1e: {  	s7 =	smul.u32 @!p0 $0xF7A, s2;
	p2 =	seq.s32 @!p0 s5, $0x0  }
0x1f: {  	s9 =	smul.u32 $0xF7A, s1;
	s8 =	simm.s32 @!p0 $0x1BF5;
	p2 =	por !p2, p0  }
0x20: {  	[sflag:s8] =	ssyncset.s32 @!p0 $0xFFFFF086;
	s6 =	sadd.s32 @!p0 s3, s7;
	s7 =	simm.s32 @!p0 $0x108  }
0x21: {  	s3 =	sadd.s32 s3, s9;
	s6 =	sadd.s32 @!p0 $0x88, s6;
	s7 =	simm.s32 @p2 $0x1082  }
0x22: {  	[simem:s7], [sflag:s8] =	dma.local @!p0 [hbm:s6], $0xF7A  }
0x23: {  	s9 =	sor.u32 $0xD0000000, s2;
	s6 =	simm.s32 $0x108;
	_ =	swait.ge @!p0 [sflag:s8], $0x0  }
0x24: {  	s3 =	sadd.s32 $0x88, s3;
	s6 =	simm.s32 @!p1 $0x1082;
	[sflag:s4] =	ssyncset.s32 $0xFFFFF086  }
0x25: {  	[simem:s6], [sflag:s4] =	dma.local [hbm:s3], $0xF7A  }
0x26: {  	[smem:$0x3F9F] =	sst s1;
	(tag) =	ssettag s2;
	_ =	strace s9  }
0x27: {  	s1 =	sld [smem:$0x3FAF]  }
0x28: {  	s2 =	sld [smem:$0x3FB0]  }
0x29: {  	s4 =	sld [smem:$0x3FB2]  }
0x2a: {  	p0 =	seq.s32 s5, $0x0;
	s5 =	sld [smem:$0x3FB3]  }
0x2b: {  	s6 =	sld [smem:$0x3FB4]  }
0x2c: {  	s7 =	sld [smem:$0x3FB5]  }
0x2d: {  	s3 =	simm.s32 $0x108;
	s8 =	sld [smem:$0x3FB6]  }
0x2e: {  	s3 =	simm.s32 @!p0 $0x1082;
	s9 =	sld [smem:$0x3FB7]  }
0x2f: {  	lr =	sadd.s32 s0, s3;
	s0 =	sld [smem:$0x3FAE]  }
0x30: {  	s3 =	sld [smem:$0x3FB1]  }
0x31: {  	[smem:$0x3FBA] =	sst s10  }
0x32: {  	s10 =	sld [smem:$0x3FB8];
	_ =	sdelay $0x3  }
0x33: {  	p0 =	seq.s32 s10, $0x1;
	s10 =	sld [smem:$0x3FBA];
	_ =	sdelay $0x3  }
0x34: {  	[smem:$0x3FBA] =	sst s10  }
0x35: {  	s10 =	sld [smem:$0x3FB9];
	_ =	sdelay $0x3  }
0x36: {  	p1 =	seq.s32 s10, $0x1;
	s10 =	sld [smem:$0x3FBA];
	_ =	sdelay $0x3  }
0x37: {  	[smem:$0x3FBA] =	sst s10  }
0x38: {  	s10 =	sld [smem:$0x3FBB]  }
0x39: {  	_ = 	snop;
	(pc) =	sbr.ind lr, $3  }
0x3a: {  	_ = 	snop  }
0x3b: {  	_ = 	snop  }
0x3c: {  	p2 =	seq.s32 s10, $0x1;
	s10 =	sld [smem:$0x3FBA]  }
0x3d: {  	_ =	shalt  }
0x3e: {  	_ =	shalt  }
0x3f: {  	_ =	shalt  }
0x40: {  	_ =	shalt  }
0x41: {  	_ =	shalt  }
0x42: {  	_ =	shalt  }
0x43: {  	_ =	shalt  }
0x44: {  	_ =	shalt  }
0x45: {  	_ =	shalt  }
0x46: {  	_ =	shalt  }
0x47: {  	_ =	shalt  }
0x48: {  	_ =	shalt  }
0x49: {  	_ =	shalt  }
0x4a: {  	_ =	shalt  }
0x4b: {  	_ =	shalt  }
0x4c: {  	_ =	shalt  }
0x4d: {  	_ =	shalt  }
0x4e: {  	_ =	shalt  }
0x4f: {  	_ =	shalt  }
0x50: {  	_ =	shalt  }
0x51: {  	_ =	shalt  }
0x52: {  	_ =	shalt  }
0x53: {  	_ =	shalt  }
0x54: {  	_ =	shalt  }
0x55: {  	_ =	shalt  }
0x56: {  	_ =	shalt  }
0x57: {  	_ =	shalt  }
0x58: {  	_ =	shalt  }
0x59: {  	_ =	shalt  }
0x5a: {  	_ =	shalt  }
0x5b: {  	_ =	shalt  }
0x5c: {  	_ =	shalt  }
0x5d: {  	_ =	shalt  }
0x5e: {  	_ =	shalt  }
0x5f: {  	_ =	shalt  }
0x60: {  	_ =	shalt  }
0x61: {  	_ =	shalt  }
0x62: {  	_ =	shalt  }
0x63: {  	_ =	shalt  }
0x64: {  	_ =	shalt  }
0x65: {  	_ =	shalt  }
0x66: {  	_ =	shalt  }
0x67: {  	_ =	shalt  }
0x68: {  	_ =	shalt  }
0x69: {  	_ =	shalt  }
0x6a: {  	_ =	shalt  }
0x6b: {  	_ =	shalt  }
0x6c: {  	_ =	shalt  }
0x6d: {  	_ =	shalt  }
0x6e: {  	_ =	shalt  }
0x6f: {  	_ =	shalt  }
0x70: {  	_ =	shalt  }
0x71: {  	_ =	shalt  }
0x72: {  	_ =	shalt  }
0x73: {  	_ =	shalt  }
0x74: {  	_ =	shalt  }
0x75: {  	_ =	shalt  }
0x76: {  	_ =	shalt  }
0x77: {  	_ =	shalt  }
0x78: {  	_ =	shalt  }
0x79: {  	_ =	shalt  }
0x7a: {  	_ =	shalt  }
0x7b: {  	_ =	shalt  }
0x7c: {  	_ =	shalt  }
0x7d: {  	_ =	shalt  }
0x7e: {  	_ =	shalt  }
0x7f: {  	_ =	shalt  }
0x80: {  	_ =	shalt  }
0x81: {  	_ =	shalt  }
0x82: {  	_ =	shalt  }
0x83: {  	_ =	shalt  }
0x84: {  	_ =	shalt  }
0x85: {  	_ =	shalt  }
0x86: {  	_ =	shalt  }
0x87: {  	_ =	shalt  }
.Lfunc_end0:
.L_simem_size_0:
called_computation_lowered:
.L_overlay_start_0:
0x88: {  	s0 =	sld [smem:$0x3FD9]  }
0x89: {  	s1 =	sld [smem:$0x3FFE];
	_ =	sdelay $0x3  }
0x8a: {  	s0 =	sadd.s32 s1, s0  }
0x8b: {  	[smem:$0x3FC6] =	sst s0  }
0x8c: {  	_ = 	snop  }
0x8d: {  	s0 =	sld [smem:$0x3FC8]  }
0x8e: {  	s16 =	sld [smem:$0x3FD0];
	(tm) =	ssettm $0x1  }
0x8f: {  	s2 =	sld [smem:$0x3FFB];
	_ =	sdelay $0x3  }
0x90: {  	_ =	strace s2  }
0x91: {  	s2 =	sld [smem:$0x3FFC];
	_ =	sdelay $0x3  }
0x92: {  	_ =	strace s2  }
0x93: {  	s2 =	sld [smem:$0x3FFD];
	_ =	sdelay $0x3  }
0x94: {  	_ =	strace s2  }
0x95: {  	_ =	strace $0x8FFFFFFF  }
0x96: {  	s17 =	sld [smem:$0x3FDB];
	_ =	sdelay $0x1  }
0x97: {  	s3 =	simm.s32 $_scs_section_size  }
0x98: {  	s4 =	simm.s32 $_size__tile_overlayer_lowered;
	s5 =	simm.s32 $_tile_overlayer_lowered  }
0x99: {  	s20 =	simm.s32 $0x1BFF;
	s19 =	sshll.u32 s5, $0x1;
	s2 =	sadd.s32 s3, s17  }
0x9a: {  	s6 =	simm.s32 $0x0;
	s18 =	sshll.u32 s4, $0x1;
	s4 =	sadd.s32 s19, s2  }
0x9b: {  	[timem:s6], [sflag:s20] =	dma.local [hbm:s4], s18  }
0x9c: {  	_ =	swait.ge [sflag:s20], s18  }
0x9d: {  	s3 =	ssub.s32 $0x0, s18;
	[sflag:s20] =	ssyncset.done $0x0  }
0x9e: {  	[sflag:s20] =	ssyncadd.s32 s3;
	_ =	sdelay $0x1  }
0x9f: {  	s21 =	simm.s32 $0x1B8B  }
0xa0: {  	_ =	swait.ge [sflag:s21], $0x1  }
0xa1: {  	[sflag:s21] =	ssyncset.done $0x0  }
0xa2: {  	s23 =	simm.s32 $0x1B8E;
	s22 =	sld [smem:$0x3FFE];
	[sflag:s21] =	ssyncadd.s32 $0xFFFFFFFF  }
0xa3: {  	s24 =	simm.s32 $execute0_lowered;
	[smem:$0x3FD2] =	sst s23  }
0xa4: {  	s4 =	sshll.u32 s24, $0x1;
	_ =	strace $0x80000046;
	[dreg:$0x1] =	wrdreg $0xFFFFFFFF  }
0xa5: {  	s25 =	simm.s32 $_size_execute0_lowered;
	s2 =	sadd.s32 s2, s4;
	[dreg:$0x0] =	wrdreg $0x0  }
0xa6: {  	s4 =	sshll.u32 s25, $0x1;
	[dreg:$0x2] =	wrdreg s2  }
0xa7: {  	[dreg:$0x3] =	wrdreg s4  }
0xa8: {  	[dreg:$0x4] =	wrdreg $0xC0  }
0xa9: {  	_ =	task [dreg:s6], $0x5FFFF  }
0xaa: {  	[dreg:$0x1] =	wrdreg $0xFFFFFFFF  }
0xab: {  	[dreg:$0x0] =	wrdreg $0x60  }
0xac: {  	[dreg:$0x2] =	wrdreg s22  }
0xad: {  	[dreg:$0x3] =	wrdreg s0  }
0xae: {  	[dreg:$0x4] =	wrdreg s16  }
0xaf: {  	[dreg:$0x5] =	wrdreg $0x9  }
0xb0: {  	_ =	task.clear_ibuf [dreg:s6], $0x6FFFF;
	_ =	strace $0x90000046  }
0xb1: {  	s26 =	simm.s32 $0x9;
	_ =	strace $0x80000048  }
0xb2: {  	_ =	swait.ge [sflag:s26], $0x1  }
0xb3: {  	[sflag:s26] =	ssyncadd.s32 $0xFFFFFFFF  }
0xb4: {  	_ =	strace $0x90000048  }
0xb5: {  	_ =	sfence  }
0xb6: {  	s28 =	sld [smem:$0x0];
	_ =	sdelay $0x1  }
0xb7: {  	s29 =	srdreg.scid  }
0xb8: {  	s30 =	sshll.u32 s29, $0xD;
	s31 =	sshrl.u32 s29, $0x2  }
0xb9: {  	s1 =	sand.u32 $0x1, s29;
	s2 =	sand.u32 $0x4000, s30;
	s0 =	sadd.s32 s31, s28  }
0xba: {  	s1 =	sor.u32 s2, s1;
	s0 =	sshll.u32 s0, $0x11  }
0xbb: {  	s0 =	sor.u32 s0, s1  }
0xbc: {  	s0 =	sadd.s32 $0x8F2B, s0  }
0xbd: {  	[sflag:s0] =	ssyncadd.remote.s32 $0x1  }
0xbe: {  	_ =	sfence.sel $0xFFFF  }
0xbf: {  	[dreg:$0x0] =	wrdreg $0xFFFFFFFF;
	(pc) =	sbr.abs _section_cstart, $3  }
0xc0: {  	[dreg:$0x1] =	wrdreg $0xFFFFFFFF  }
0xc1: {  	_ =	task.clear_ibuf [dreg:s6], $0x2FFFF;
	_ =	strace $0x9FFFFFFF  }
0xc2: {  	(tm) =	ssettm $0x7FFFFFFF  }
0xc3: {  	_ =	shalt  }
tec
execute0_lowered:
.L_overlay_start_1:
0x0: {  	(tag) =	ssettag $0x1  }
0x1: {  	s3 =	stileid.u32  }
0x2: {  	p0 =	sne.s32 s3, $0x0  }
.Ltmp0:
0x3: {  	_ = 	snop;
	(pc) =	sbr.rel @p0 .LBB2_2-.Ltmp0, $4  }
0x4: {  	s4 =	rddreg [dreg:$0x0]  }
0x5: {  	s2 =	rddreg [dreg:$0x1]  }
0x6: {  	s1 =	rddreg [dreg:$0x2]  }
0x7: {  	s0 =	rddreg [dreg:$0x3];
	_ =	strace $0x80000047  }
0x8: {  	s3 =	simm.s32 $0x0;
	s28 =	simm.s32 $0x2  }
0x9: {  	[tilespmem:s3], [sflag:$0x2] =	stream.linear.gather [hbm4b:s2+s3], $0x44, $0x38;
	[tilespmem:$0x280] =	vst v63  }
0xa: {  	_ =	swait.ge [sflag:s28], $0x44  }
0xb: {  	s4 =	sadd.s32 $0x400, s4;
	[sflag:s28] =	ssyncset.done $0x0  }
0xc: {  	s5 =	simm.s32 $0x44;
	s6 =	simm.s32 $0x100;
	[sflag:s28] =	ssyncadd.s32 $0xFFFFFFBC  }
0xd: {  	[tilespmem:s6], [sflag:$0x1] =	stream.indirect.gather [hbm4b:s4+s5], $0x1, s3, s5, $0xb8;
	[tilespmem:$0x280] =	vst v63  }
0xe: {  	v0 =	vld [tilespmem:$0x0]  }
0xf: {  	v1 =	vld [tilespmem:$0x10]  }
0x10: {  	v2 =	vld [tilespmem:$0x20]  }
0x11: {  	v3 =	vld [tilespmem:$0x30]  }
0x12: {  	v4 =	vld [tilespmem:$0x40]  }
0x13: {  	v0 =	vadd.s32 $0x186A0, v0  }
0x14: {  	v19 =	vadd.s32 $0x186A0, v1;
	[tilespmem:$0x80] =	vst v0  }
0x15: {  	v20 =	vadd.s32 $0x186A0, v2;
	[tilespmem:$0x90] =	vst v19  }
0x16: {  	v21 =	vadd.s32 $0x186A0, v3;
	[tilespmem:$0xA0] =	vst v20  }
0x17: {  	v22 =	vadd.s32 $0x186A0, v4;
	[tilespmem:$0xB0] =	vst v21  }
0x18: {  	s29 =	simm.s32 $0x80;
	s7 =	simm.s32 $0x180;
	s30 =	simm.s32 $0x1;
	[tilespmem:$0xC0] =	vst v22  }
0x19: {  	[tilespmem:s7], [sflag:$0x1] =	stream.indirect.gather [hbm4b:s4+s5], $0x1, s29, s5, $0xb8;
	[tilespmem:$0x280] =	vst v63  }
0x1a: {  	_ =	swait.ge [sflag:s30], $0x44  }
0x1b: {  	[sflag:s30] =	ssyncset.done $0x0  }
0x1c: {  	[sflag:s30] =	ssyncadd.s32 $0xFFFFFFBC  }
0x1d: {  	_ =	swait.ge [sflag:s30], $0x44  }
0x1e: {  	[sflag:s30] =	ssyncset.done $0x0  }
0x1f: {  	[sflag:s30] =	ssyncadd.s32 $0xFFFFFFBC  }
0x20: {  	v23 =	vld [tilespmem:$0x100]  }
0x21: {  	v24 =	vld [tilespmem:$0x180]  }
0x22: {  	v25 =	vld [tilespmem:$0x110]  }
0x23: {  	v26 =	vld [tilespmem:$0x190]  }
0x24: {  	v27 =	vld [tilespmem:$0x120]  }
0x25: {  	v5 =	vld [tilespmem:$0x1A0]  }
0x26: {  	v6 =	vld [tilespmem:$0x130]  }
0x27: {  	v7 =	vld [tilespmem:$0x1B0]  }
0x28: {  	v28 =	vld [tilespmem:$0x140];
	v0 =	vmul.f32 v23, v23;
	v1 =	vmul.f32 v24, v24  }
0x29: {  	v31 =	vld [tilespmem:$0x1C0];
	v2 =	vmul.f32 v25, v25;
	v3 =	vmul.f32 v26, v26  }
0x2a: {  	v29 =	vmul.f32 v27, v27  }
0x2b: {  	v30 =	vmul.f32 v5, v5;
	v0 =	vadd.f32 v1, v0;
	v2 =	vadd.f32 v3, v2  }
0x2c: {  	v36 =	vimm.s32 $0xFEDCBA98;
	v37 =	vimm.s32 $0x76543210;
	v33 =	vmul.f32 v6, v6  }
0x2d: {  	v34 =	vmul.f32 v7, v7;
	v32 =	vadd.f32 v30, v29;
	v0 =	vadd.f32 v2, v0  }
0x2e: {  	v35 =	vmul.f32 v31, v31;
	v5 =	vunpack.c.l.s4.s8 v36;
	v1 =	vmul.f32 v28, v28  }
0x2f: {  	v3 =	vunpack.c.l.s4.s8 v37;
	v2 =	vadd.f32 v34, v33;
	v0 =	vadd.f32 v32, v0  }
0x30: {  	v38 =	vunpack.c.0.s8.s32 v5;
	v1 =	vadd.f32 v35, v1  }
0x31: {  	vm0 =	vmmov $0xf;
	v3 =	vunpack.c.0.s8.s32 v3;
	v0 =	vadd.f32 v2, v0  }
0x32: {  	v40 =	vimm.s32 $0xBA98FEDC;
	v39 =	vand.u32 $0xF, v38;
	v1 =	vnsel vm0, $0x0, v1  }
0x33: {  	v41 =	vimm.s32 $0x32107654;
	v0 =	vadd.f32 v1, v0;
	v1 =	vcombine.low v39, v3  }
0x34: {  	v2 =	vunpack.c.l.s4.s8 v40;
	v3 =	vunpack.c.l.s4.s8 v41  }
0x35: {  	v1 =	vperm.xlane v0, v1  }
0x36: {  	v2 =	vunpack.c.0.s8.s32 v2;
	v3 =	vunpack.c.0.s8.s32 v3  }
0x37: {  	v43 =	vimm.s32 $0xDCFE98BA;
	v44 =	vimm.s32 $0x54761032;
	v0 =	vadd.f32 v0, v1  }
0x38: {  	v42 =	vcombine.low v3, v2;
	v2 =	vunpack.c.l.s4.s8 v43;
	v3 =	vunpack.c.l.s4.s8 v44  }
0x39: {  	v46 =	vimm.s32 $0x67452301  }
0x3a: {  	v1 =	vperm.xlane v0, v42;
	v2 =	vunpack.c.0.s8.s32 v2;
	v3 =	vunpack.c.0.s8.s32 v3  }
0x3b: {  	v45 =	vimm.s32 $0xEFCDAB89;
	v47 =	vunpack.c.l.s4.s8 v46  }
0x3c: {  	v0 =	vadd.f32 v0, v1;
	v2 =	vcombine.low v3, v2;
	v1 =	vunpack.c.l.s4.s8 v45;
	_ =	sdelay $0x1  }
0x3d: {  	v3 =	vunpack.c.0.s8.s32 v47;
	v2 =	vperm.xlane v0, v2;
	v1 =	vunpack.c.0.s8.s32 v1;
	_ =	sdelay $0x1  }
0x3e: {  	v0 =	vadd.f32 v0, v2;
	v1 =	vcombine.low v3, v1;
	_ =	sdelay $0x1  }
0x3f: {  	v1 =	vperm.xlane v0, v1;
	_ =	sdelay $0x1  }
0x40: {  	v0 =	vadd.f32 v0, v1;
	_ =	sdelay $0x1  }
0x41: {  	v1 =	vadd.f32 $1.000000000e+00, v0;
	_ =	sdelay $0x1  }
0x42: {  	v1 =	vmul.f32 $5.000000000e-01, v1;
	_ =	sdelay $0x1  }
0x43: {  	(erf) = vrcp.f32 v1;
	_ =	sdelay $0x8  }
0x44: {  	v48 =	vpop (erf)  }
0x45: {  	v2 =	vmul.f32 v48, v0;
	_ =	sdelay $0x1  }
0x46: {  	v1 =	vadd.f32 v2, v1;
	_ =	sdelay $0x1  }
0x47: {  	v1 =	vmul.f32 $5.000000000e-01, v1;
	_ =	sdelay $0x1  }
0x48: {  	(erf) = vrcp.f32 v1;
	_ =	sdelay $0x8  }
0x49: {  	v49 =	vpop (erf)  }
0x4a: {  	v2 =	vmul.f32 v49, v0;
	_ =	sdelay $0x1  }
0x4b: {  	v1 =	vadd.f32 v2, v1;
	_ =	sdelay $0x1  }
0x4c: {  	v1 =	vmul.f32 $5.000000000e-01, v1;
	_ =	sdelay $0x1  }
0x4d: {  	(erf) = vrcp.f32 v1;
	_ =	sdelay $0x8  }
0x4e: {  	v50 =	vpop (erf)  }
0x4f: {  	v2 =	vmul.f32 v50, v0;
	_ =	sdelay $0x1  }
0x50: {  	v1 =	vadd.f32 v2, v1;
	_ =	sdelay $0x1  }
0x51: {  	v1 =	vmul.f32 $5.000000000e-01, v1;
	_ =	sdelay $0x1  }
0x52: {  	(erf) = vrcp.f32 v1;
	_ =	sdelay $0x8  }
0x53: {  	v51 =	vpop (erf)  }
0x54: {  	v2 =	vmul.f32 v51, v0;
	_ =	sdelay $0x1  }
0x55: {  	v1 =	vadd.f32 v2, v1;
	_ =	sdelay $0x1  }
0x56: {  	v1 =	vmul.f32 $5.000000000e-01, v1;
	_ =	sdelay $0x1  }
0x57: {  	(erf) = vrcp.f32 v1;
	_ =	sdelay $0x8  }
0x58: {  	v52 =	vpop (erf)  }
0x59: {  	v2 =	vmul.f32 v52, v0;
	_ =	sdelay $0x1  }
0x5a: {  	v1 =	vadd.f32 v2, v1;
	_ =	sdelay $0x1  }
0x5b: {  	v1 =	vmul.f32 $5.000000000e-01, v1;
	_ =	sdelay $0x1  }
0x5c: {  	(erf) = vrcp.f32 v1;
	_ =	sdelay $0x8  }
0x5d: {  	v53 =	vpop (erf)  }
0x5e: {  	v2 =	vmul.f32 v53, v0;
	_ =	sdelay $0x1  }
0x5f: {  	v1 =	vadd.f32 v2, v1;
	_ =	sdelay $0x1  }
0x60: {  	v1 =	vmul.f32 $5.000000000e-01, v1;
	_ =	sdelay $0x1  }
0x61: {  	(erf) = vrcp.f32 v1;
	_ =	sdelay $0x8  }
0x62: {  	v54 =	vpop (erf)  }
0x63: {  	v2 =	vmul.f32 v54, v0;
	_ =	sdelay $0x1  }
0x64: {  	v1 =	vadd.f32 v2, v1;
	_ =	sdelay $0x1  }
0x65: {  	v1 =	vmul.f32 $5.000000000e-01, v1;
	_ =	sdelay $0x1  }
0x66: {  	(erf) = vrcp.f32 v1;
	_ =	sdelay $0x8  }
0x67: {  	v55 =	vpop (erf)  }
0x68: {  	v2 =	vmul.f32 v55, v0;
	_ =	sdelay $0x1  }
0x69: {  	v1 =	vadd.f32 v2, v1;
	_ =	sdelay $0x1  }
0x6a: {  	v1 =	vmul.f32 $5.000000000e-01, v1;
	_ =	sdelay $0x1  }
0x6b: {  	(erf) = vrcp.f32 v1;
	_ =	sdelay $0x8  }
0x6c: {  	v56 =	vpop (erf)  }
0x6d: {  	v2 =	vmul.f32 v56, v0;
	_ =	sdelay $0x1  }
0x6e: {  	v1 =	vadd.f32 v2, v1;
	_ =	sdelay $0x1  }
0x6f: {  	v1 =	vmul.f32 $5.000000000e-01, v1;
	_ =	sdelay $0x1  }
0x70: {  	(erf) = vrcp.f32 v1;
	_ =	sdelay $0x8  }
0x71: {  	v57 =	vpop (erf)  }
0x72: {  	v2 =	vmul.f32 v57, v0;
	_ =	sdelay $0x1  }
0x73: {  	v1 =	vadd.f32 v2, v1;
	_ =	sdelay $0x1  }
0x74: {  	v1 =	vmul.f32 $5.000000000e-01, v1;
	_ =	sdelay $0x1  }
0x75: {  	(erf) = vrcp.f32 v1;
	_ =	sdelay $0x8  }
0x76: {  	v58 =	vpop (erf)  }
0x77: {  	v2 =	vmul.f32 v58, v0;
	_ =	sdelay $0x1  }
0x78: {  	v1 =	vadd.f32 v2, v1;
	_ =	sdelay $0x1  }
0x79: {  	v1 =	vmul.f32 $5.000000000e-01, v1;
	_ =	sdelay $0x1  }
0x7a: {  	(erf) = vrcp.f32 v1;
	_ =	sdelay $0x8  }
0x7b: {  	v59 =	vpop (erf)  }
0x7c: {  	v2 =	vmul.f32 v59, v0;
	_ =	sdelay $0x1  }
0x7d: {  	v1 =	vadd.f32 v2, v1;
	_ =	sdelay $0x1  }
0x7e: {  	v1 =	vmul.f32 $5.000000000e-01, v1;
	_ =	sdelay $0x1  }
0x7f: {  	(erf) = vrcp.f32 v1;
	_ =	sdelay $0x8  }
0x80: {  	v60 =	vpop (erf)  }
0x81: {  	v2 =	vmul.f32 v60, v0;
	_ =	sdelay $0x1  }
0x82: {  	v1 =	vadd.f32 v2, v1;
	_ =	sdelay $0x1  }
0x83: {  	v1 =	vmul.f32 $5.000000000e-01, v1;
	_ =	sdelay $0x1  }
0x84: {  	(erf) = vrcp.f32 v1;
	_ =	sdelay $0x8  }
0x85: {  	v61 =	vpop (erf)  }
0x86: {  	v2 =	vmul.f32 v61, v0;
	_ =	sdelay $0x1  }
0x87: {  	v1 =	vadd.f32 v2, v1;
	_ =	sdelay $0x1  }
0x88: {  	v1 =	vmul.f32 $5.000000000e-01, v1;
	_ =	sdelay $0x1  }
0x89: {  	(erf) = vrcp.f32 v1;
	_ =	sdelay $0x8  }
0x8a: {  	v62 =	vpop (erf)  }
0x8b: {  	v2 =	vmul.f32 v62, v0;
	_ =	sdelay $0x1  }
0x8c: {  	v1 =	vadd.f32 v2, v1;
	_ =	sdelay $0x1  }
0x8d: {  	v1 =	vmul.f32 $5.000000000e-01, v1;
	_ =	sdelay $0x1  }
0x8e: {  	(erf) = vrcp.f32 v1;
	_ =	sdelay $0x8  }
0x8f: {  	v63 =	vpop (erf)  }
0x90: {  	v2 =	vmul.f32 v63, v0;
	_ =	sdelay $0x1  }
0x91: {  	v1 =	vadd.f32 v2, v1;
	_ =	sdelay $0x1  }
0x92: {  	v1 =	vmul.f32 $5.000000000e-01, v1  }
0x93: {  	vm15 =	vgt.f32 v0, $0.0e+00  }
0x94: {  	v0 =	vnsel vm15, $0x0, v1  }
0x95: {  	s31 =	simm.s32 $0x200;
	[tilespmem:$0x200] =	vst v0  }
0x96: {  	[hbm4b:s1+s3] =	stream.linear.scatter [tilespmem:s31], [sflag:$0x2], $0x1, $0x38;
	[tilespmem:$0x280] =	vst v63  }
0x97: {  	_ =	swait.ge [sflag:s28], $0x1  }
0x98: {  	[sflag:s28] =	ssyncset.done $0x0  }
0x99: {  	[sflag:s28] =	ssyncadd.s32 $0xFFFFFFFF  }
.LBB2_2:
0x9a: {  	_ =	sfence.sel $0x180000  }
0x9b: {  	[bflag:$0x0] =	sbarrier.arrive $0xFFFF  }
0x9c: {  	_ =	strace $0x90000047  }
0x9d: {  	s0 =	sadd.s32 @!p0 $0x100000, s0;
	[bflag:$0x2] =	sbarrier.arrive $0xFFFF  }
0x9e: {  	[sflag:s0] =	ssyncadd.tile.s32 @!p0 $0x1;
	_ =	shalt  }
.Lfunc_end2:
_tile_overlayer_lowered:
.L_overlay_start_2:
0x9f: {  	(tag) =	ssettag $0x2  }
0xa0: {  	s0 =	rddreg [dreg:$0x0];
	s2 =	stileid.u32  }
0xa1: {  	s1 =	rddreg [dreg:$0x1];
	p0 =	sne.s32 s2, $0x0  }
0xa2: {  	s3 =	rddreg [dreg:$0x2];
	[bflag:$0x3] =	sbarrier.arrive $0xFFFF;
	s2 =	simm.s32 @!p0 $0x1C02  }
0xa3: {  	[timem:s3], [sflag:s2] =	dma.local @!p0 [hbm:s0], s1  }
0xa4: {  	s0 =	simm.s32 @!p0 $0x2  }
0xa5: {  	_ =	swait.ge @!p0 [sflag:s0], s1  }
0xa6: {  	s1 =	ssub.s32 @!p0 $0x0, s1;
	[sflag:s0] =	ssyncset.done @!p0 $0x0  }
0xa7: {  	[sflag:s0] =	ssyncadd.s32 @!p0 s1  }
0xa8: {  	[bflag:$0x3] =	sbarrier.arrive $0xFFFF  }
0xa9: {  	_ =	shalt  }

</sc_bundles>
